<compile_context>
chip_gen: v7x
topology: tpu7x:2x2x1
jax: 0.10.2.dev20260603
libtpu: 0.0.44.dev20260713+nightly
codegen_flags: <defaults>
</compile_context>

<pallas_src>
import functools

import jax
import jax.numpy as jnp
import numpy as np
from jax.experimental import pallas as pl

N = 4096
D = 512
H = 64
K = 32
EPS = 1e-7
BR = 512
GRID = N // BR

_F32 = jnp.float32


def _a_kernel(adj_ref, x_ref, w1_ref, b1_ref, d_ref, m1_ref):
    s = jnp.sum(adj_ref[...], axis=1, keepdims=True) + 1.0
    d = jax.lax.rsqrt(s)
    t = jnp.dot(x_ref[...], w1_ref[...], preferred_element_type=_F32) + b1_ref[...]
    d_ref[...] = d
    m1_ref[...] = d * t


def _b_kernel(adj_ref, m1_ref, d_ref, wc_ref, bc_ref, m2_ref):
    i = pl.program_id(0)
    m1_rows = m1_ref[pl.ds(i * BR, BR), :]
    y = jnp.dot(adj_ref[...], m1_ref[...], preferred_element_type=_F32) + m1_rows
    y = d_ref[...] * y
    h = jnp.where(y >= 0.0, y, 0.01 * y)
    c = jnp.dot(h, wc_ref[...], preferred_element_type=_F32) + bc_ref[...]
    m2_ref[...] = d_ref[...] * c


def _c_kernel(adj_ref, m2_ref, d_ref, u1_ref, u2_ref, nrm_ref,
              inv_ba_ref, inv_bb_ref, tri_ref, wx_ref, bx_ref,
              we_ref, be_ref, xhat_ref, z2_ref):
    i = pl.program_id(0)
    m2_rows = m2_ref[pl.ds(i * BR, BR), :]
    p = jnp.dot(adj_ref[...], m2_ref[...], preferred_element_type=_F32) + m2_rows
    p = d_ref[...] * p
    pi_logit = p[:, :K]
    r_mean = p[:, K:2 * K]
    r_log_std = p[:, 2 * K:]
    u1 = u1_ref[...]
    u2 = u2_ref[...]
    v = jnp.power(1.0 - jnp.power(u1, inv_bb_ref[...]), inv_ba_ref[...])
    logv = jnp.log(v + EPS)
    cs = jnp.dot(logv, tri_ref[...], preferred_element_type=_F32)
    pp = jnp.clip(jnp.exp(cs), EPS, 1.0 - EPS)
    prior_logit = jnp.log(pp) - jnp.log1p(-pp)
    y = pi_logit + prior_logit + jnp.log(u2 + EPS) - jnp.log(1.0 - u2 + EPS)
    b = jax.nn.sigmoid(y)
    r = r_mean + nrm_ref[...] * jnp.exp(r_log_std)
    z = b * r
    xhat_ref[...] = jnp.dot(z, wx_ref[...], preferred_element_type=_F32) + bx_ref[...]
    z2_ref[...] = jnp.dot(z, we_ref[...], preferred_element_type=_F32) + be_ref[...]


def _d_kernel(z2r_ref, z2_ref, out_ref):
    out_ref[...] = jax.lax.dot_general(
        z2r_ref[...], z2_ref[...], (((1,), (1,)), ((), ())),
        preferred_element_type=_F32)


@functools.partial(jax.jit, static_argnames=())
def kernel(x, adj_mat, W1, b1, Wpi, bpi, Wm, bm, Ws, bs,
           beta_a_param, beta_b_param, Wx, bx, We, be):
    nkey = jax.random.key(42)
    u1 = jax.random.uniform(jax.random.fold_in(nkey, 1), (N, K), dtype=_F32,
                            minval=1e-4, maxval=1.0 - 1e-4)
    u2 = jax.random.uniform(jax.random.fold_in(nkey, 2), (N, K), dtype=_F32,
                            minval=1e-4, maxval=1.0 - 1e-4)
    nrm = jax.random.normal(jax.random.fold_in(nkey, 3), (N, K), dtype=_F32)

    b1r = b1.reshape(1, H)
    wc = jnp.concatenate([Wpi, Wm, Ws], axis=1)
    bc = jnp.concatenate([bpi, bm, bs]).reshape(1, 3 * K)
    inv_ba = (1.0 / jax.nn.softplus(beta_a_param)).reshape(1, K)
    inv_bb = (1.0 / jax.nn.softplus(beta_b_param)).reshape(1, K)
    tri = jnp.asarray(np.triu(np.ones((K, K), np.float32)))
    bxr = bx.reshape(1, D)
    ber = be.reshape(1, K)

    adj_row = pl.BlockSpec((BR, N), lambda i: (i, 0))
    row1 = pl.BlockSpec((BR, 1), lambda i: (i, 0))
    full = lambda shape: pl.BlockSpec(shape, lambda i: (0, 0))

    d, m1 = pl.pallas_call(
        _a_kernel,
        grid=(GRID,),
        in_specs=[adj_row, pl.BlockSpec((BR, D), lambda i: (i, 0)),
                  full((D, H)), full((1, H))],
        out_specs=[row1, pl.BlockSpec((BR, H), lambda i: (i, 0))],
        out_shape=[jax.ShapeDtypeStruct((N, 1), _F32),
                   jax.ShapeDtypeStruct((N, H), _F32)],
    )(adj_mat, x, W1, b1r)

    m2 = pl.pallas_call(
        _b_kernel,
        grid=(GRID,),
        in_specs=[adj_row, full((N, H)), row1, full((H, 3 * K)),
                  full((1, 3 * K))],
        out_specs=pl.BlockSpec((BR, 3 * K), lambda i: (i, 0)),
        out_shape=jax.ShapeDtypeStruct((N, 3 * K), _F32),
    )(adj_mat, m1, d, wc, bc)

    blkK = pl.BlockSpec((BR, K), lambda i: (i, 0))
    x_hat, z2 = pl.pallas_call(
        _c_kernel,
        grid=(GRID,),
        in_specs=[adj_row, full((N, 3 * K)), row1, blkK, blkK, blkK,
                  full((1, K)), full((1, K)), full((K, K)),
                  full((K, D)), full((1, D)), full((K, K)), full((1, K))],
        out_specs=[pl.BlockSpec((BR, D), lambda i: (i, 0)), blkK],
        out_shape=[jax.ShapeDtypeStruct((N, D), _F32),
                   jax.ShapeDtypeStruct((N, K), _F32)],
    )(adj_mat, m2, d, u1, u2, nrm, inv_ba, inv_bb, tri, Wx, bxr, We, ber)

    edge = pl.pallas_call(
        _d_kernel,
        grid=(GRID,),
        in_specs=[blkK, full((N, K))],
        out_specs=adj_row,
        out_shape=jax.ShapeDtypeStruct((N, N), _F32),
    )(z2, z2)

    return (x_hat.reshape(-1), edge.reshape(-1))

# --- scband reference (transcript-rebuilt; emitter-appended) ---
"""Pipeline reference for scband-dglfrm-22325240004646 (READ-ONLY COPY).

The authoritative reference and input builder live on the scoring server;
editing this copy changes nothing except your own understanding.
"""

import jax, jax.numpy as jnp
import numpy as np

N = 4096
D = 512
H = 64
K = 32
EPS = 1e-7
TEMP_POST = 1.0


def _logit(p):
    p = jnp.clip(p, EPS, 1.0 - EPS)
    return jnp.log(p) - jnp.log1p(-p)


def _normalize_adj(adj):
    n = adj.shape[0]
    adj_ = jnp.eye(n, dtype=adj.dtype) + adj
    d = jnp.power(jnp.sum(adj_, axis=1), -0.5)
    return d[:, None] * adj_ * d[None, :]


def setup_inputs(seed: int = 0):
    key = jax.random.key(seed)
    ks = jax.random.split(key, 10)
    x = jax.random.uniform(ks[0], (N, D), dtype=jnp.float32)
    adj_mat = jax.random.uniform(ks[1], (N, N), dtype=jnp.float32)
    W1 = jax.random.normal(ks[2], (D, H), dtype=jnp.float32) * 0.05
    b1 = jnp.zeros((H,), jnp.float32)
    Wpi = jax.random.normal(ks[3], (H, K), dtype=jnp.float32) * 0.1
    bpi = jnp.zeros((K,), jnp.float32)
    Wm = jax.random.normal(ks[4], (H, K), dtype=jnp.float32) * 0.1
    bm = jnp.zeros((K,), jnp.float32)
    Ws = jax.random.normal(ks[5], (H, K), dtype=jnp.float32) * 0.1
    bs = jnp.zeros((K,), jnp.float32)
    beta_a_param = jnp.full((K,), float(np.log(np.exp(2.0) - 1.0)), jnp.float32)
    beta_b_param = jnp.full((K,), float(np.log(np.exp(1.0) - 1.0)), jnp.float32)
    Wx = jax.random.normal(ks[6], (K, D), dtype=jnp.float32) * 0.1
    bx = jnp.zeros((D,), jnp.float32)
    We = jax.random.normal(ks[7], (K, K), dtype=jnp.float32) * 0.1
    be = jnp.zeros((K,), jnp.float32)
    return {"x": x, "adj_mat": adj_mat, "W1": W1, "b1": b1, "Wpi": Wpi, "bpi": bpi,
            "Wm": Wm, "bm": bm, "Ws": Ws, "bs": bs,
            "beta_a_param": beta_a_param, "beta_b_param": beta_b_param,
            "Wx": Wx, "bx": bx, "We": We, "be": be}


def reference(x, adj_mat, W1, b1, Wpi, bpi, Wm, bm, Ws, bs,
              beta_a_param, beta_b_param, Wx, bx, We, be):
    nkey = jax.random.key(42)
    u1 = jax.random.uniform(jax.random.fold_in(nkey, 1), (N, K), dtype=jnp.float32, minval=1e-4, maxval=1.0 - 1e-4)
    u2 = jax.random.uniform(jax.random.fold_in(nkey, 2), (N, K), dtype=jnp.float32, minval=1e-4, maxval=1.0 - 1e-4)
    nrm = jax.random.normal(jax.random.fold_in(nkey, 3), (N, K), dtype=jnp.float32)

    adj_norm = _normalize_adj(adj_mat)
    # encoder feature GCN layer (dropout=0.0, LeakyReLU default slope 0.01)
    h = jax.nn.leaky_relu(adj_norm @ (x @ W1 + b1), 0.01)
    pi_logit = adj_norm @ (h @ Wpi + bpi)
    r_mean = adj_norm @ (h @ Wm + bm)
    r_log_std = adj_norm @ (h @ Ws + bs)
    beta_a = jax.nn.softplus(beta_a_param)[None, :]
    beta_b = jax.nn.softplus(beta_b_param)[None, :]
    # Kumaraswamy reparameterization of the Beta sticks
    v = jnp.power(1.0 - jnp.power(u1, 1.0 / beta_b), 1.0 / beta_a)
    pi_log_prior = jnp.cumsum(jnp.log(v + EPS), axis=1)
    pi_logit_prior = _logit(jnp.exp(pi_log_prior))
    pi_logit_post = pi_logit + pi_logit_prior
    # BinConcrete reparameterization of Bernoulli (training mode: no rounding)
    y_sample = (pi_logit_post + jnp.log(u2 + EPS) - jnp.log(1.0 - u2 + EPS)) / TEMP_POST
    b = jax.nn.sigmoid(y_sample)
    # Gaussian reparameterization
    r = r_mean + nrm * jnp.exp(r_log_std)
    z = b * r
    x_hat_logits = (z @ Wx + bx).reshape(-1)
    z2 = z @ We + be
    edge_hat_logits = (z2 @ z2.T).reshape(-1)
    return (x_hat_logits, edge_hat_logits)

if __name__ == "__main__":
    import jax
    _d = setup_inputs()
    print(jax.jit(kernel)(*tuple(_d.values())))

</pallas_src>

<mosaic_0001>
module attributes {stable_mosaic.version = 14 : i64} {
  func.func @_b_kernel(%arg0: i32, %arg1: memref<512x4096xf32, #tpu.memory_space<vmem>>, %arg2: memref<4096x64xf32, #tpu.memory_space<vmem>>, %arg3: memref<512x1xf32, #tpu.memory_space<vmem>>, %arg4: memref<64x96xf32, #tpu.memory_space<vmem>>, %arg5: memref<1x96xf32, #tpu.memory_space<vmem>>, %arg6: memref<512x96xf32, #tpu.memory_space<vmem>>) attributes {dimension_semantics = [#tpu.dimension_semantics<arbitrary>], iteration_bounds = array<i64: 8>, scalar_prefetch = 0 : i64, scratch_operands = 0 : i64, tpu.core_type = #tpu.core_type<tc>, window_params = [{transform_indices = @transform_0, window_bounds = array<i64: 512, 4096>}, {pipeline_mode = #tpu.pipeline_mode<synchronous>, transform_indices = @transform_1, window_bounds = array<i64: 4096, 64>}, {transform_indices = @transform_2, window_bounds = array<i64: 512, 1>}, {pipeline_mode = #tpu.pipeline_mode<synchronous>, transform_indices = @transform_3, window_bounds = array<i64: 64, 96>}, {pipeline_mode = #tpu.pipeline_mode<synchronous>, transform_indices = @transform_4, window_bounds = array<i64: 1, 96>}, {transform_indices = @transform_5, window_bounds = array<i64: 512, 96>}]} {
    %mul3A = arith.constant 512 : i32
    %mul3A_0 = arith.muli %arg0, %mul3A : i32
    %get3A = arith.index_cast %mul3A_0 : i32 to index
    %get3A_1 = arith.constant 0 : index
    %get3A_2 = vector.load %arg2[%get3A, %get3A_1] : memref<4096x64xf32, #tpu.memory_space<vmem>>, vector<512x64xf32>
    %get3A_3 = arith.constant 0 : index
    %get3A_4 = arith.constant 0 : index
    %get3A_5 = vector.load %arg1[%get3A_3, %get3A_4] : memref<512x4096xf32, #tpu.memory_space<vmem>>, vector<512x4096xf32>
    %get3A_6 = arith.constant 0 : index
    %get3A_7 = arith.constant 0 : index
    %get3A_8 = vector.load %arg2[%get3A_6, %get3A_7] : memref<4096x64xf32, #tpu.memory_space<vmem>>, vector<4096x64xf32>
    %dot_general3A = arith.constant dense<0.000000e+00> : vector<512x64xf32>
    %dot_general3A_9 = tpu.matmul %get3A_5, %get3A_8, %dot_general3A {dimension_numbers = #tpu.dot_dimension_numbers<[1], [0], [0], [1], [0, 0, 1, 1], [], []>, transpose_lhs_hint = false} : vector<512x4096xf32>, vector<4096x64xf32>, vector<512x64xf32> -> vector<512x64xf32>
    %add3A = arith.addf %dot_general3A_9, %get3A_2 : vector<512x64xf32>
    %get3A_10 = arith.constant 0 : index
    %get3A_11 = arith.constant 0 : index
    %get3A_12 = vector.load %arg3[%get3A_10, %get3A_11] : memref<512x1xf32, #tpu.memory_space<vmem>>, vector<512x1xf32>
    %mul3A_13 = vector.broadcast %get3A_12 : vector<512x1xf32> to vector<512x64xf32>
    %mul3A_14 = arith.mulf %mul3A_13, %add3A : vector<512x64xf32>
    %ge3A = arith.constant 0.000000e+00 : f32
    %ge3A_15 = vector.broadcast %ge3A : f32 to vector<512x64xf32>
    %ge3A_16 = arith.cmpf oge, %mul3A_14, %ge3A_15 : vector<512x64xf32>
    %mul3A_17 = arith.constant 0.00999999977 : f32
    %mul3A_18 = vector.broadcast %mul3A_17 : f32 to vector<512x64xf32>
    %mul3A_19 = arith.mulf %mul3A_18, %mul3A_14 : vector<512x64xf32>
    %select_n3A = arith.select %ge3A_16, %mul3A_14, %mul3A_19 : vector<512x64xi1>, vector<512x64xf32>
    %get3A_20 = arith.constant 0 : index
    %get3A_21 = arith.constant 0 : index
    %get3A_22 = vector.load %arg4[%get3A_20, %get3A_21] : memref<64x96xf32, #tpu.memory_space<vmem>>, vector<64x96xf32>
    %dot_general3A_23 = arith.constant dense<0.000000e+00> : vector<512x96xf32>
    %dot_general3A_24 = tpu.matmul %select_n3A, %get3A_22, %dot_general3A_23 {dimension_numbers = #tpu.dot_dimension_numbers<[1], [0], [0], [1], [0, 0, 1, 1], [], []>, transpose_lhs_hint = false} : vector<512x64xf32>, vector<64x96xf32>, vector<512x96xf32> -> vector<512x96xf32>
    %get3A_25 = arith.constant 0 : index
    %get3A_26 = arith.constant 0 : index
    %get3A_27 = vector.load %arg5[%get3A_25, %get3A_26] : memref<1x96xf32, #tpu.memory_space<vmem>>, vector<1x96xf32>
    %add3A_28 = vector.broadcast %get3A_27 : vector<1x96xf32> to vector<512x96xf32>
    %add3A_29 = arith.addf %dot_general3A_24, %add3A_28 : vector<512x96xf32>
    %get3A_30 = arith.constant 0 : index
    %get3A_31 = arith.constant 0 : index
    %get3A_32 = vector.load %arg3[%get3A_30, %get3A_31] : memref<512x1xf32, #tpu.memory_space<vmem>>, vector<512x1xf32>
    %mul3A_33 = vector.broadcast %get3A_32 : vector<512x1xf32> to vector<512x96xf32>
    %mul3A_34 = arith.mulf %mul3A_33, %add3A_29 : vector<512x96xf32>
    %swap3A = arith.constant 0 : index
    %swap3A_35 = arith.constant 0 : index
    %swap3A_36 = vector.load %arg6[%swap3A, %swap3A_35] : memref<512x96xf32, #tpu.memory_space<vmem>>, vector<512x96xf32>
    tpu.vector_store %arg6[%swap3A, %swap3A_35], %mul3A_34 {strides = array<i32>} : memref<512x96xf32, #tpu.memory_space<vmem>>, vector<512x96xf32>,
    return
  }
  func.func @transform_0(%arg0: i32) -> (i32, i32) {
    %c0_i32 = arith.constant 0 : i32
    %c0_i32_0 = arith.constant 0 : i32
    return %arg0, %c0_i32 : i32, i32
  }
  func.func @transform_1(%arg0: i32) -> (i32, i32) {
    %c0_i32 = arith.constant 0 : i32
    %c0_i32_0 = arith.constant 0 : i32
    %c0_i32_1 = arith.constant 0 : i32
    return %c0_i32, %c0_i32_0 : i32, i32
  }
  func.func @transform_2(%arg0: i32) -> (i32, i32) {
    %c0_i32 = arith.constant 0 : i32
    %c0_i32_0 = arith.constant 0 : i32
    return %arg0, %c0_i32 : i32, i32
  }
  func.func @transform_3(%arg0: i32) -> (i32, i32) {
    %c0_i32 = arith.constant 0 : i32
    %c0_i32_0 = arith.constant 0 : i32
    %c0_i32_1 = arith.constant 0 : i32
    return %c0_i32, %c0_i32_0 : i32, i32
  }
  func.func @transform_4(%arg0: i32) -> (i32, i32) {
    %c0_i32 = arith.constant 0 : i32
    %c0_i32_0 = arith.constant 0 : i32
    %c0_i32_1 = arith.constant 0 : i32
    return %c0_i32, %c0_i32_0 : i32, i32
  }
  func.func @transform_5(%arg0: i32) -> (i32, i32) {
    %c0_i32 = arith.constant 0 : i32
    %c0_i32_0 = arith.constant 0 : i32
    return %arg0, %c0_i32 : i32, i32
  }
}

module attributes {stable_mosaic.version = 14 : i64} {
  func.func @_a_kernel(%arg0: i32, %arg1: memref<512x4096xf32, #tpu.memory_space<vmem>>, %arg2: memref<512x512xf32, #tpu.memory_space<vmem>>, %arg3: memref<512x64xf32, #tpu.memory_space<vmem>>, %arg4: memref<1x64xf32, #tpu.memory_space<vmem>>, %arg5: memref<512x1xf32, #tpu.memory_space<vmem>>, %arg6: memref<512x64xf32, #tpu.memory_space<vmem>>) attributes {dimension_semantics = [#tpu.dimension_semantics<arbitrary>], iteration_bounds = array<i64: 8>, scalar_prefetch = 0 : i64, scratch_operands = 0 : i64, tpu.core_type = #tpu.core_type<tc>, window_params = [{transform_indices = @transform_0, window_bounds = array<i64: 512, 4096>}, {transform_indices = @transform_1, window_bounds = array<i64: 512, 512>}, {pipeline_mode = #tpu.pipeline_mode<synchronous>, transform_indices = @transform_2, window_bounds = array<i64: 512, 64>}, {pipeline_mode = #tpu.pipeline_mode<synchronous>, transform_indices = @transform_3, window_bounds = array<i64: 1, 64>}, {transform_indices = @transform_4, window_bounds = array<i64: 512, 1>}, {transform_indices = @transform_5, window_bounds = array<i64: 512, 64>}]} {
    %get3A = arith.constant 0 : index
    %get3A_0 = arith.constant 0 : index
    %get3A_1 = vector.load %arg1[%get3A, %get3A_0] : memref<512x4096xf32, #tpu.memory_space<vmem>>, vector<512x4096xf32>
    %reduce_sum3A = arith.constant dense<0.000000e+00> : vector<512xf32>
    %reduce_sum3A_2 = vector.multi_reduction <add>, %get3A_1, %reduce_sum3A [1] : vector<512x4096xf32> to vector<512xf32>
    %broadcast_in_dim3A = vector.shape_cast %reduce_sum3A_2 : vector<512xf32> to vector<512x1xf32>
    %add3A = arith.constant 1.000000e+00 : f32
    %add3A_3 = vector.broadcast %add3A : f32 to vector<512x1xf32>
    %add3A_4 = arith.addf %broadcast_in_dim3A, %add3A_3 : vector<512x1xf32>
    %rsqrt3A = math.rsqrt %add3A_4 : vector<512x1xf32>
    %get3A_5 = arith.constant 0 : index
    %get3A_6 = arith.constant 0 : index
    %get3A_7 = vector.load %arg2[%get3A_5, %get3A_6] : memref<512x512xf32, #tpu.memory_space<vmem>>, vector<512x512xf32>
    %get3A_8 = arith.constant 0 : index
    %get3A_9 = arith.constant 0 : index
    %get3A_10 = vector.load %arg3[%get3A_8, %get3A_9] : memref<512x64xf32, #tpu.memory_space<vmem>>, vector<512x64xf32>
    %dot_general3A = arith.constant dense<0.000000e+00> : vector<512x64xf32>
    %dot_general3A_11 = tpu.matmul %get3A_7, %get3A_10, %dot_general3A {dimension_numbers = #tpu.dot_dimension_numbers<[1], [0], [0], [1], [0, 0, 1, 1], [], []>, transpose_lhs_hint = false} : vector<512x512xf32>, vector<512x64xf32>, vector<512x64xf32> -> vector<512x64xf32>
    %get3A_12 = arith.constant 0 : index
    %get3A_13 = arith.constant 0 : index
    %get3A_14 = vector.load %arg4[%get3A_12, %get3A_13] : memref<1x64xf32, #tpu.memory_space<vmem>>, vector<1x64xf32>
    %add3A_15 = vector.broadcast %get3A_14 : vector<1x64xf32> to vector<512x64xf32>
    %add3A_16 = arith.addf %dot_general3A_11, %add3A_15 : vector<512x64xf32>
    %swap3A = arith.constant 0 : index
    %swap3A_17 = arith.constant 0 : index
    %swap3A_18 = vector.load %arg5[%swap3A, %swap3A_17] : memref<512x1xf32, #tpu.memory_space<vmem>>, vector<512x1xf32>
    tpu.vector_store %arg5[%swap3A, %swap3A_17], %rsqrt3A {strides = array<i32>} : memref<512x1xf32, #tpu.memory_space<vmem>>, vector<512x1xf32>,
    %mul3A = vector.broadcast %rsqrt3A : vector<512x1xf32> to vector<512x64xf32>
    %mul3A_19 = arith.mulf %mul3A, %add3A_16 : vector<512x64xf32>
    %swap3A_20 = arith.constant 0 : index
    %swap3A_21 = arith.constant 0 : index
    %swap3A_22 = vector.load %arg6[%swap3A_20, %swap3A_21] : memref<512x64xf32, #tpu.memory_space<vmem>>, vector<512x64xf32>
    tpu.vector_store %arg6[%swap3A_20, %swap3A_21], %mul3A_19 {strides = array<i32>} : memref<512x64xf32, #tpu.memory_space<vmem>>, vector<512x64xf32>,
    return
  }
  func.func @transform_0(%arg0: i32) -> (i32, i32) {
    %c0_i32 = arith.constant 0 : i32
    %c0_i32_0 = arith.constant 0 : i32
    return %arg0, %c0_i32 : i32, i32
  }
  func.func @transform_1(%arg0: i32) -> (i32, i32) {
    %c0_i32 = arith.constant 0 : i32
    %c0_i32_0 = arith.constant 0 : i32
    return %arg0, %c0_i32 : i32, i32
  }
  func.func @transform_2(%arg0: i32) -> (i32, i32) {
    %c0_i32 = arith.constant 0 : i32
    %c0_i32_0 = arith.constant 0 : i32
    %c0_i32_1 = arith.constant 0 : i32
    return %c0_i32, %c0_i32_0 : i32, i32
  }
  func.func @transform_3(%arg0: i32) -> (i32, i32) {
    %c0_i32 = arith.constant 0 : i32
    %c0_i32_0 = arith.constant 0 : i32
    %c0_i32_1 = arith.constant 0 : i32
    return %c0_i32, %c0_i32_0 : i32, i32
  }
  func.func @transform_4(%arg0: i32) -> (i32, i32) {
    %c0_i32 = arith.constant 0 : i32
    %c0_i32_0 = arith.constant 0 : i32
    return %arg0, %c0_i32 : i32, i32
  }
  func.func @transform_5(%arg0: i32) -> (i32, i32) {
    %c0_i32 = arith.constant 0 : i32
    %c0_i32_0 = arith.constant 0 : i32
    return %arg0, %c0_i32 : i32, i32
  }
}

module attributes {stable_mosaic.version = 14 : i64} {
  func.func @_c_kernel(%arg0: i32, %arg1: memref<512x4096xf32, #tpu.memory_space<vmem>>, %arg2: memref<4096x96xf32, #tpu.memory_space<vmem>>, %arg3: memref<512x1xf32, #tpu.memory_space<vmem>>, %arg4: memref<512x32xf32, #tpu.memory_space<vmem>>, %arg5: memref<512x32xf32, #tpu.memory_space<vmem>>, %arg6: memref<512x32xf32, #tpu.memory_space<vmem>>, %arg7: memref<1x32xf32, #tpu.memory_space<vmem>>, %arg8: memref<1x32xf32, #tpu.memory_space<vmem>>, %arg9: memref<32x32xf32, #tpu.memory_space<vmem>>, %arg10: memref<32x512xf32, #tpu.memory_space<vmem>>, %arg11: memref<1x512xf32, #tpu.memory_space<vmem>>, %arg12: memref<32x32xf32, #tpu.memory_space<vmem>>, %arg13: memref<1x32xf32, #tpu.memory_space<vmem>>, %arg14: memref<512x512xf32, #tpu.memory_space<vmem>>, %arg15: memref<512x32xf32, #tpu.memory_space<vmem>>) attributes {dimension_semantics = [#tpu.dimension_semantics<arbitrary>], iteration_bounds = array<i64: 8>, scalar_prefetch = 0 : i64, scratch_operands = 0 : i64, tpu.core_type = #tpu.core_type<tc>, window_params = [{transform_indices = @transform_0, window_bounds = array<i64: 512, 4096>}, {pipeline_mode = #tpu.pipeline_mode<synchronous>, transform_indices = @transform_1, window_bounds = array<i64: 4096, 96>}, {transform_indices = @transform_2, window_bounds = array<i64: 512, 1>}, {transform_indices = @transform_3, window_bounds = array<i64: 512, 32>}, {transform_indices = @transform_4, window_bounds = array<i64: 512, 32>}, {transform_indices = @transform_5, window_bounds = array<i64: 512, 32>}, {pipeline_mode = #tpu.pipeline_mode<synchronous>, transform_indices = @transform_6, window_bounds = array<i64: 1, 32>}, {pipeline_mode = #tpu.pipeline_mode<synchronous>, transform_indices = @transform_7, window_bounds = array<i64: 1, 32>}, {pipeline_mode = #tpu.pipeline_mode<synchronous>, transform_indices = @transform_8, window_bounds = array<i64: 32, 32>}, {pipeline_mode = #tpu.pipeline_mode<synchronous>, transform_indices = @transform_9, window_bounds = array<i64: 32, 512>}, {pipeline_mode = #tpu.pipeline_mode<synchronous>, transform_indices = @transform_10, window_bounds = array<i64: 1, 512>}, {pipeline_mode = #tpu.pipeline_mode<synchronous>, transform_indices = @transform_11, window_bounds = array<i64: 32, 32>}, {pipeline_mode = #tpu.pipeline_mode<synchronous>, transform_indices = @transform_12, window_bounds = array<i64: 1, 32>}, {transform_indices = @transform_13, window_bounds = array<i64: 512, 512>}, {transform_indices = @transform_14, window_bounds = array<i64: 512, 32>}]} {
    %mul3A = arith.constant 512 : i32
    %mul3A_0 = arith.muli %arg0, %mul3A : i32
    %get3A = arith.index_cast %mul3A_0 : i32 to index
    %get3A_1 = arith.constant 0 : index
    %get3A_2 = vector.load %arg2[%get3A, %get3A_1] : memref<4096x96xf32, #tpu.memory_space<vmem>>, vector<512x96xf32>
    %get3A_3 = arith.constant 0 : index
    %get3A_4 = arith.constant 0 : index
    %get3A_5 = vector.load %arg1[%get3A_3, %get3A_4] : memref<512x4096xf32, #tpu.memory_space<vmem>>, vector<512x4096xf32>
    %get3A_6 = arith.constant 0 : index
    %get3A_7 = arith.constant 0 : index
    %get3A_8 = vector.load %arg2[%get3A_6, %get3A_7] : memref<4096x96xf32, #tpu.memory_space<vmem>>, vector<4096x96xf32>
    %dot_general3A = arith.constant dense<0.000000e+00> : vector<512x96xf32>
    %dot_general3A_9 = tpu.matmul %get3A_5, %get3A_8, %dot_general3A {dimension_numbers = #tpu.dot_dimension_numbers<[1], [0], [0], [1], [0, 0, 1, 1], [], []>, transpose_lhs_hint = false} : vector<512x4096xf32>, vector<4096x96xf32>, vector<512x96xf32> -> vector<512x96xf32>
    %add3A = arith.addf %dot_general3A_9, %get3A_2 : vector<512x96xf32>
    %get3A_10 = arith.constant 0 : index
    %get3A_11 = arith.constant 0 : index
    %get3A_12 = vector.load %arg3[%get3A_10, %get3A_11] : memref<512x1xf32, #tpu.memory_space<vmem>>, vector<512x1xf32>
    %mul3A_13 = vector.broadcast %get3A_12 : vector<512x1xf32> to vector<512x96xf32>
    %mul3A_14 = arith.mulf %mul3A_13, %add3A : vector<512x96xf32>
    %slice3A = vector.extract_strided_slice %mul3A_14 {offsets = [0, 0], sizes = [512, 32], strides = [1, 1]} : vector<512x96xf32> to vector<512x32xf32>
    %slice3A_15 = vector.extract_strided_slice %mul3A_14 {offsets = [0, 32], sizes = [512, 32], strides = [1, 1]} : vector<512x96xf32> to vector<512x32xf32>
    %slice3A_16 = vector.extract_strided_slice %mul3A_14 {offsets = [0, 64], sizes = [512, 32], strides = [1, 1]} : vector<512x96xf32> to vector<512x32xf32>
    %get3A_17 = arith.constant 0 : index
    %get3A_18 = arith.constant 0 : index
    %get3A_19 = vector.load %arg4[%get3A_17, %get3A_18] : memref<512x32xf32, #tpu.memory_space<vmem>>, vector<512x32xf32>
    %get3A_20 = arith.constant 0 : index
    %get3A_21 = arith.constant 0 : index
    %get3A_22 = vector.load %arg5[%get3A_20, %get3A_21] : memref<512x32xf32, #tpu.memory_space<vmem>>, vector<512x32xf32>
    %get3A_23 = arith.constant 0 : index
    %get3A_24 = arith.constant 0 : index
    %get3A_25 = vector.load %arg8[%get3A_23, %get3A_24] : memref<1x32xf32, #tpu.memory_space<vmem>>, vector<1x32xf32>
    %pow3A = vector.broadcast %get3A_25 : vector<1x32xf32> to vector<512x32xf32>
    %pow3A_26 = math.powf %get3A_19, %pow3A : vector<512x32xf32>
    %sub3A = arith.constant 1.000000e+00 : f32
    %sub3A_27 = vector.broadcast %sub3A : f32 to vector<512x32xf32>
    %sub3A_28 = arith.subf %sub3A_27, %pow3A_26 : vector<512x32xf32>
    %get3A_29 = arith.constant 0 : index
    %get3A_30 = arith.constant 0 : index
    %get3A_31 = vector.load %arg7[%get3A_29, %get3A_30] : memref<1x32xf32, #tpu.memory_space<vmem>>, vector<1x32xf32>
    %pow3A_32 = vector.broadcast %get3A_31 : vector<1x32xf32> to vector<512x32xf32>
    %pow3A_33 = math.powf %sub3A_28, %pow3A_32 : vector<512x32xf32>
    %add3A_34 = arith.constant 1.000000e-07 : f32
    %add3A_35 = vector.broadcast %add3A_34 : f32 to vector<512x32xf32>
    %add3A_36 = arith.addf %pow3A_33, %add3A_35 : vector<512x32xf32>
    %log3A = math.log %add3A_36 : vector<512x32xf32>
    %get3A_37 = arith.constant 0 : index
    %get3A_38 = arith.constant 0 : index
    %get3A_39 = vector.load %arg9[%get3A_37, %get3A_38] : memref<32x32xf32, #tpu.memory_space<vmem>>, vector<32x32xf32>
    %dot_general3A_40 = arith.constant dense<0.000000e+00> : vector<512x32xf32>
    %dot_general3A_41 = tpu.matmul %log3A, %get3A_39, %dot_general3A_40 {dimension_numbers = #tpu.dot_dimension_numbers<[1], [0], [0], [1], [0, 0, 1, 1], [], []>, transpose_lhs_hint = false} : vector<512x32xf32>, vector<32x32xf32>, vector<512x32xf32> -> vector<512x32xf32>
    %exp3A = math.exp %dot_general3A_41 : vector<512x32xf32>
    %jit3A = arith.constant 1.000000e-07 : f32
    %jit3A_42 = arith.constant 0.99999988 : f32
    %max3A = vector.broadcast %jit3A : f32 to vector<512x32xf32>
    %max3A_43 = arith.maximumf %max3A, %exp3A : vector<512x32xf32>
    %min3A = vector.broadcast %jit3A_42 : f32 to vector<512x32xf32>
    %min3A_44 = arith.minimumf %min3A, %max3A_43 : vector<512x32xf32>
    %log3A_45 = math.log %min3A_44 : vector<512x32xf32>
    %neg3A = arith.constant 0.000000e+00 : f32
    %neg3A_46 = vector.broadcast %neg3A : f32 to vector<512x32xf32>
    %neg3A_47 = arith.subf %neg3A_46, %min3A_44 : vector<512x32xf32>
    %log1p3A = math.log1p %neg3A_47 : vector<512x32xf32>
    %sub3A_48 = arith.subf %log3A_45, %log1p3A : vector<512x32xf32>
    %add3A_49 = arith.addf %slice3A, %sub3A_48 : vector<512x32xf32>
    %add3A_50 = arith.constant 1.000000e-07 : f32
    %add3A_51 = vector.broadcast %add3A_50 : f32 to vector<512x32xf32>
    %add3A_52 = arith.addf %get3A_22, %add3A_51 : vector<512x32xf32>
    %log3A_53 = math.log %add3A_52 : vector<512x32xf32>
    %add3A_54 = arith.addf %add3A_49, %log3A_53 : vector<512x32xf32>
    %sub3A_55 = arith.constant 1.000000e+00 : f32
    %sub3A_56 = vector.broadcast %sub3A_55 : f32 to vector<512x32xf32>
    %sub3A_57 = arith.subf %sub3A_56, %get3A_22 : vector<512x32xf32>
    %add3A_58 = arith.constant 1.000000e-07 : f32
    %add3A_59 = vector.broadcast %add3A_58 : f32 to vector<512x32xf32>
    %add3A_60 = arith.addf %sub3A_57, %add3A_59 : vector<512x32xf32>
    %log3A_61 = math.log %add3A_60 : vector<512x32xf32>
    %sub3A_62 = arith.subf %add3A_54, %log3A_61 : vector<512x32xf32>
    %logistic3A = arith.negf %sub3A_62 : vector<512x32xf32>
    %logistic3A_63 = math.exp %logistic3A : vector<512x32xf32>
    %logistic3A_64 = arith.constant 1.000000e+00 : f32
    %logistic3A_65 = vector.broadcast %logistic3A_64 : f32 to vector<512x32xf32>
    %logistic3A_66 = arith.addf %logistic3A_65, %logistic3A_63 : vector<512x32xf32>
    %logistic3A_67 = arith.divf %logistic3A_65, %logistic3A_66 : vector<512x32xf32>
    %get3A_68 = arith.constant 0 : index
    %get3A_69 = arith.constant 0 : index
    %get3A_70 = vector.load %arg6[%get3A_68, %get3A_69] : memref<512x32xf32, #tpu.memory_space<vmem>>, vector<512x32xf32>
    %exp3A_71 = math.exp %slice3A_16 : vector<512x32xf32>
    %mul3A_72 = arith.mulf %get3A_70, %exp3A_71 : vector<512x32xf32>
    %add3A_73 = arith.addf %slice3A_15, %mul3A_72 : vector<512x32xf32>
    %mul3A_74 = arith.mulf %logistic3A_67, %add3A_73 : vector<512x32xf32>
    %get3A_75 = arith.constant 0 : index
    %get3A_76 = arith.constant 0 : index
    %get3A_77 = vector.load %arg10[%get3A_75, %get3A_76] : memref<32x512xf32, #tpu.memory_space<vmem>>, vector<32x512xf32>
    %dot_general3A_78 = arith.constant dense<0.000000e+00> : vector<512x512xf32>
    %dot_general3A_79 = tpu.matmul %mul3A_74, %get3A_77, %dot_general3A_78 {dimension_numbers = #tpu.dot_dimension_numbers<[1], [0], [0], [1], [0, 0, 1, 1], [], []>, transpose_lhs_hint = false} : vector<512x32xf32>, vector<32x512xf32>, vector<512x512xf32> -> vector<512x512xf32>
    %get3A_80 = arith.constant 0 : index
    %get3A_81 = arith.constant 0 : index
    %get3A_82 = vector.load %arg11[%get3A_80, %get3A_81] : memref<1x512xf32, #tpu.memory_space<vmem>>, vector<1x512xf32>
    %add3A_83 = vector.broadcast %get3A_82 : vector<1x512xf32> to vector<512x512xf32>
    %add3A_84 = arith.addf %dot_general3A_79, %add3A_83 : vector<512x512xf32>
    %swap3A = arith.constant 0 : index
    %swap3A_85 = arith.constant 0 : index
    %swap3A_86 = vector.load %arg14[%swap3A, %swap3A_85] : memref<512x512xf32, #tpu.memory_space<vmem>>, vector<512x512xf32>
    tpu.vector_store %arg14[%swap3A, %swap3A_85], %add3A_84 {strides = array<i32>} : memref<512x512xf32, #tpu.memory_space<vmem>>, vector<512x512xf32>,
    %get3A_87 = arith.constant 0 : index
    %get3A_88 = arith.constant 0 : index
    %get3A_89 = vector.load %arg12[%get3A_87, %get3A_88] : memref<32x32xf32, #tpu.memory_space<vmem>>, vector<32x32xf32>
    %dot_general3A_90 = arith.constant dense<0.000000e+00> : vector<512x32xf32>
    %dot_general3A_91 = tpu.matmul %mul3A_74, %get3A_89, %dot_general3A_90 {dimension_numbers = #tpu.dot_dimension_numbers<[1], [0], [0], [1], [0, 0, 1, 1], [], []>, transpose_lhs_hint = false} : vector<512x32xf32>, vector<32x32xf32>, vector<512x32xf32> -> vector<512x32xf32>
    %get3A_92 = arith.constant 0 : index
    %get3A_93 = arith.constant 0 : index
    %get3A_94 = vector.load %arg13[%get3A_92, %get3A_93] : memref<1x32xf32, #tpu.memory_space<vmem>>, vector<1x32xf32>
    %add3A_95 = vector.broadcast %get3A_94 : vector<1x32xf32> to vector<512x32xf32>
    %add3A_96 = arith.addf %dot_general3A_91, %add3A_95 : vector<512x32xf32>
    %swap3A_97 = arith.constant 0 : index
    %swap3A_98 = arith.constant 0 : index
    %swap3A_99 = vector.load %arg15[%swap3A_97, %swap3A_98] : memref<512x32xf32, #tpu.memory_space<vmem>>, vector<512x32xf32>
    tpu.vector_store %arg15[%swap3A_97, %swap3A_98], %add3A_96 {strides = array<i32>} : memref<512x32xf32, #tpu.memory_space<vmem>>, vector<512x32xf32>,
    return
  }
  func.func @transform_0(%arg0: i32) -> (i32, i32) {
    %c0_i32 = arith.constant 0 : i32
    %c0_i32_0 = arith.constant 0 : i32
    return %arg0, %c0_i32 : i32, i32
  }
  func.func @transform_1(%arg0: i32) -> (i32, i32) {
    %c0_i32 = arith.constant 0 : i32
    %c0_i32_0 = arith.constant 0 : i32
    %c0_i32_1 = arith.constant 0 : i32
    return %c0_i32, %c0_i32_0 : i32, i32
  }
  func.func @transform_2(%arg0: i32) -> (i32, i32) {
    %c0_i32 = arith.constant 0 : i32
    %c0_i32_0 = arith.constant 0 : i32
    return %arg0, %c0_i32 : i32, i32
  }
  func.func @transform_3(%arg0: i32) -> (i32, i32) {
    %c0_i32 = arith.constant 0 : i32
    %c0_i32_0 = arith.constant 0 : i32
    return %arg0, %c0_i32 : i32, i32
  }
  func.func @transform_4(%arg0: i32) -> (i32, i32) {
    %c0_i32 = arith.constant 0 : i32
    %c0_i32_0 = arith.constant 0 : i32
    return %arg0, %c0_i32 : i32, i32
  }
  func.func @transform_5(%arg0: i32) -> (i32, i32) {
    %c0_i32 = arith.constant 0 : i32
    %c0_i32_0 = arith.constant 0 : i32
    return %arg0, %c0_i32 : i32, i32
  }
  func.func @transform_6(%arg0: i32) -> (i32, i32) {
    %c0_i32 = arith.constant 0 : i32
    %c0_i32_0 = arith.constant 0 : i32
    %c0_i32_1 = arith.constant 0 : i32
    return %c0_i32, %c0_i32_0 : i32, i32
  }
  func.func @transform_7(%arg0: i32) -> (i32, i32) {
    %c0_i32 = arith.constant 0 : i32
    %c0_i32_0 = arith.constant 0 : i32
    %c0_i32_1 = arith.constant 0 : i32
    return %c0_i32, %c0_i32_0 : i32, i32
  }
  func.func @transform_8(%arg0: i32) -> (i32, i32) {
    %c0_i32 = arith.constant 0 : i32
    %c0_i32_0 = arith.constant 0 : i32
    %c0_i32_1 = arith.constant 0 : i32
    return %c0_i32, %c0_i32_0 : i32, i32
  }
  func.func @transform_9(%arg0: i32) -> (i32, i32) {
    %c0_i32 = arith.constant 0 : i32
    %c0_i32_0 = arith.constant 0 : i32
    %c0_i32_1 = arith.constant 0 : i32
    return %c0_i32, %c0_i32_0 : i32, i32
  }
  func.func @transform_10(%arg0: i32) -> (i32, i32) {
    %c0_i32 = arith.constant 0 : i32
    %c0_i32_0 = arith.constant 0 : i32
    %c0_i32_1 = arith.constant 0 : i32
    return %c0_i32, %c0_i32_0 : i32, i32
  }
  func.func @transform_11(%arg0: i32) -> (i32, i32) {
    %c0_i32 = arith.constant 0 : i32
    %c0_i32_0 = arith.constant 0 : i32
    %c0_i32_1 = arith.constant 0 : i32
    return %c0_i32, %c0_i32_0 : i32, i32
  }
  func.func @transform_12(%arg0: i32) -> (i32, i32) {
    %c0_i32 = arith.constant 0 : i32
    %c0_i32_0 = arith.constant 0 : i32
    %c0_i32_1 = arith.constant 0 : i32
    return %c0_i32, %c0_i32_0 : i32, i32
  }
  func.func @transform_13(%arg0: i32) -> (i32, i32) {
    %c0_i32 = arith.constant 0 : i32
    %c0_i32_0 = arith.constant 0 : i32
    return %arg0, %c0_i32 : i32, i32
  }
  func.func @transform_14(%arg0: i32) -> (i32, i32) {
    %c0_i32 = arith.constant 0 : i32
    %c0_i32_0 = arith.constant 0 : i32
    return %arg0, %c0_i32 : i32, i32
  }
}

module attributes {stable_mosaic.version = 14 : i64} {
  func.func @_d_kernel(%arg0: i32, %arg1: memref<512x32xf32, #tpu.memory_space<vmem>>, %arg2: memref<4096x32xf32, #tpu.memory_space<vmem>>, %arg3: memref<512x4096xf32, #tpu.memory_space<vmem>>) attributes {dimension_semantics = [#tpu.dimension_semantics<arbitrary>], iteration_bounds = array<i64: 8>, scalar_prefetch = 0 : i64, scratch_operands = 0 : i64, tpu.core_type = #tpu.core_type<tc>, window_params = [{transform_indices = @transform_0, window_bounds = array<i64: 512, 32>}, {pipeline_mode = #tpu.pipeline_mode<synchronous>, transform_indices = @transform_1, window_bounds = array<i64: 4096, 32>}, {transform_indices = @transform_2, window_bounds = array<i64: 512, 4096>}]} {
    %get3A = arith.constant 0 : index
    %get3A_0 = arith.constant 0 : index
    %get3A_1 = vector.load %arg1[%get3A, %get3A_0] : memref<512x32xf32, #tpu.memory_space<vmem>>, vector<512x32xf32>
    %get3A_2 = arith.constant 0 : index
    %get3A_3 = arith.constant 0 : index
    %get3A_4 = vector.load %arg2[%get3A_2, %get3A_3] : memref<4096x32xf32, #tpu.memory_space<vmem>>, vector<4096x32xf32>
    %dot_general3A = arith.constant dense<0.000000e+00> : vector<512x4096xf32>
    %dot_general3A_5 = tpu.matmul %get3A_1, %get3A_4, %dot_general3A {dimension_numbers = #tpu.dot_dimension_numbers<[1], [1], [0], [0], [0, 0, 1, 0], [], []>, transpose_lhs_hint = false} : vector<512x32xf32>, vector<4096x32xf32>, vector<512x4096xf32> -> vector<512x4096xf32>
    %swap3A = arith.constant 0 : index
    %swap3A_6 = arith.constant 0 : index
    %swap3A_7 = vector.load %arg3[%swap3A, %swap3A_6] : memref<512x4096xf32, #tpu.memory_space<vmem>>, vector<512x4096xf32>
    tpu.vector_store %arg3[%swap3A, %swap3A_6], %dot_general3A_5 {strides = array<i32>} : memref<512x4096xf32, #tpu.memory_space<vmem>>, vector<512x4096xf32>,
    return
  }
  func.func @transform_0(%arg0: i32) -> (i32, i32) {
    %c0_i32 = arith.constant 0 : i32
    %c0_i32_0 = arith.constant 0 : i32
    return %arg0, %c0_i32 : i32, i32
  }
  func.func @transform_1(%arg0: i32) -> (i32, i32) {
    %c0_i32 = arith.constant 0 : i32
    %c0_i32_0 = arith.constant 0 : i32
    %c0_i32_1 = arith.constant 0 : i32
    return %c0_i32, %c0_i32_0 : i32, i32
  }
  func.func @transform_2(%arg0: i32) -> (i32, i32) {
    %c0_i32 = arith.constant 0 : i32
    %c0_i32_0 = arith.constant 0 : i32
    return %arg0, %c0_i32 : i32, i32
  }
}

</mosaic_0001>

<sc_bundles>
// kernel: sparse-core-data-format-call.cloned.1.call-start
scs
called_computation_lowered:
.L_overlay_start_0:
0x0: {  	s2 =	sld [smem:$0x3FD9]  }
0x1: {  	s3 =	sld [smem:$0x3FFE];
	_ =	sdelay $0x1  }
0x2: {  	s1 =	srdreg.scid  }
0x3: {  	s0 =	sand.u32 $0x1, s1  }
0x4: {  	s15 =	sshll.u32 s0, $0xA;
	s2 =	sadd.s32 s3, s2  }
0x5: {  	s2 =	sadd.s32 s2, s15  }
0x6: {  	[smem:$0x3FB8] =	sst s2  }
0x7: {  	_ = 	snop  }
0x8: {  	s2 =	sld [smem:$0x3FD0];
	_ =	sdelay $0x2  }
0x9: {  	s16 =	simm.s32 $0xA;
	s4 =	simm.s32 $0x10  }
0xa: {  	[smem:s4], [sflag:s16] =	dma.local [hbm:s2], $0x1  }
0xb: {  	_ =	swait.eq [sflag:s16], $0x1  }
0xc: {  	[sflag:s16] =	ssyncset.done $0x0  }
0xd: {  	[sflag:s16] =	ssyncadd.s32 $0xFFFFFFFF  }
0xe: {  	s17 =	sld [smem:$0x11];
	(tm) =	ssettm $0x1  }
0xf: {  	s18 =	sld [smem:$0x3FFB];
	_ =	sdelay $0x3  }
0x10: {  	_ =	strace s18  }
0x11: {  	s3 =	sld [smem:$0x3FFC];
	_ =	sdelay $0x3  }
0x12: {  	_ =	strace s3  }
0x13: {  	s3 =	sld [smem:$0x3FFD];
	_ =	sdelay $0x3  }
0x14: {  	_ =	strace s3  }
0x15: {  	_ =	strace $0x8FFFFFFF  }
0x16: {  	s19 =	sld [smem:$0x3FDB];
	_ =	sdelay $0x1  }
0x17: {  	s20 =	simm.s32 $_scs_section_size  }
0x18: {  	s5 =	simm.s32 $_size__tile_overlayer_lowered;
	s6 =	simm.s32 $_tile_overlayer_lowered  }
0x19: {  	s23 =	simm.s32 $0x1BFF;
	s22 =	sshll.u32 s6, $0x1;
	s3 =	sadd.s32 s20, s19  }
0x1a: {  	s7 =	simm.s32 $0x0;
	s21 =	sshll.u32 s5, $0x1;
	s5 =	sadd.s32 s22, s3  }
0x1b: {  	[timem:s7], [sflag:s23] =	dma.local [hbm:s5], s21  }
0x1c: {  	_ =	swait.ge [sflag:s23], s21  }
0x1d: {  	s4 =	ssub.s32 $0x0, s21;
	[sflag:s23] =	ssyncset.done $0x0  }
0x1e: {  	[sflag:s23] =	ssyncadd.s32 s4;
	_ =	sdelay $0x1  }
0x1f: {  	s24 =	simm.s32 $0x1B8B  }
0x20: {  	_ =	swait.ge [sflag:s24], $0x1  }
0x21: {  	[sflag:s24] =	ssyncset.done $0x0  }
0x22: {  	s26 =	simm.s32 $0x1B8E;
	s25 =	sld [smem:$0x3FFE];
	[sflag:s24] =	ssyncadd.s32 $0xFFFFFFFF  }
0x23: {  	s27 =	simm.s32 $execute0_lowered;
	[smem:$0x3FD2] =	sst s26  }
0x24: {  	s5 =	sshll.u32 s27, $0x1;
	_ =	strace $0x80000046;
	[dreg:$0x1] =	wrdreg $0xFFFFFFFF  }
0x25: {  	s28 =	simm.s32 $_size_execute0_lowered;
	s3 =	sadd.s32 s3, s5;
	[dreg:$0x0] =	wrdreg $0x0  }
0x26: {  	s5 =	sshll.u32 s28, $0x1;
	[dreg:$0x2] =	wrdreg s3  }
0x27: {  	[dreg:$0x3] =	wrdreg s5  }
0x28: {  	[dreg:$0x4] =	wrdreg $0xC0  }
0x29: {  	_ =	task [dreg:s7], $0x5FFFF  }
0x2a: {  	[dreg:$0x1] =	wrdreg $0xFFFFFFFF  }
0x2b: {  	[dreg:$0x0] =	wrdreg $0x60  }
0x2c: {  	[dreg:$0x2] =	wrdreg s25  }
0x2d: {  	[dreg:$0x3] =	wrdreg s17  }
0x2e: {  	[dreg:$0x4] =	wrdreg $0x9  }
0x2f: {  	_ =	task.clear_ibuf [dreg:s7], $0x5FFFF;
	_ =	strace $0x90000046  }
0x30: {  	s29 =	simm.s32 $0x9;
	_ =	strace $0x80000048  }
0x31: {  	_ =	swait.ge [sflag:s29], $0x1  }
0x32: {  	[sflag:s29] =	ssyncadd.s32 $0xFFFFFFFF  }
0x33: {  	_ =	strace $0x90000048  }
0x34: {  	_ =	sfence  }
0x35: {  	s30 =	sld [smem:$0x0];
	_ =	sdelay $0x2  }
0x36: {  	s31 =	sshll.u32 s1, $0xD;
	s1 =	sshrl.u32 s1, $0x2  }
0x37: {  	s3 =	sand.u32 $0x4000, s31;
	s1 =	sadd.s32 s1, s30  }
0x38: {  	s0 =	sor.u32 s3, s0;
	s1 =	sshll.u32 s1, $0x11  }
0x39: {  	s0 =	sor.u32 s1, s0  }
0x3a: {  	s0 =	sadd.s32 $0x8F2B, s0  }
0x3b: {  	[sflag:s0] =	ssyncadd.remote.s32 $0x1  }
0x3c: {  	_ =	sfence.sel $0xFFFF  }
0x3d: {  	[dreg:$0x0] =	wrdreg $0xFFFFFFFF;
	(pc) =	sbr.abs _section_cstart, $3  }
0x3e: {  	[dreg:$0x1] =	wrdreg $0xFFFFFFFF  }
0x3f: {  	_ =	task.clear_ibuf [dreg:s7], $0x2FFFF;
	_ =	strace $0x9FFFFFFF  }
0x40: {  	(tm) =	ssettm $0x7FFFFFFF  }
0x41: {  	_ =	shalt  }
tec
execute0_lowered:
.L_overlay_start_1:
0x0: {  	(tag) =	ssettag $0x1  }
0x1: {  	s1 =	rddreg [dreg:$0x0]  }
0x2: {  	s2 =	rddreg [dreg:$0x1]  }
0x3: {  	s0 =	rddreg [dreg:$0x2];
	_ =	strace $0x80000047;
	s4 =	srdreg.scid  }
0x4: {  	s6 =	simm.s32 $0x2;
	s11 =	simm.s32 $0x0;
	p0 =	por $0x0, $0x0  }
.Ltmp0:
0x5: {  	s7 =	simm.s32 $0x1000;
	s12 =	simm.s32 $0x0;
	(pc) =	sbr.rel .LBB1_1-.Ltmp0, $4  }
0x6: {  	s9 =	simm.s32 $0x0;
	s3 =	sadd.s32 $0x2A00, s1;
	s5 =	sshll.u32 s4, $0x4  }
0x7: {  	s1 =	stileid.u32;
	s4 =	simm.s32 $0x1;
	s5 =	sand.u32 $0x10, s5  }
0x8: {  	s8 =	simm.s32 $0x0;
	[sflag:s4] =	ssyncpa.u1 $0x0;
	s5 =	sor.u32 s1, s5  }
0x9: {  	[sflag:s6] =	ssyncpa.u1 $0x0;
	s6 =	simm.s32 $0x800;
	s10 =	smov.u32 s5  }
.LBB1_7:
0xa: {  	s13 =	sadd.s32 $0x10, s9  }
0xb: {  	s11 =	sadd.s32 $0x20, s10;
	s15 =	smov.u32 s10;
	p2 =	sgt.s32 s13, $0x1F  }
0xc: {  	p1 =	slt.u32 s8, $0x2;
	s15 =	smov.u32 @p2 s11  }
0xd: {  	s8 =	sadd.s32 $0x1, s8;
	s13 =	simm.s32 @p2 $0x0;
	p2 =	sgt.s32 s15, $0x1FF  }
0xe: {  	s15 =	smov.u32 @p2 s5;
	p2 =	sne.s32 s8, $0x22  }
.Ltmp1:
0xf: {  	_ = 	snop;
	(pc) =	sbr.rel @!p2 .LBB1_8-.Ltmp1, $4  }
0x10: {  	s14 =	simm.s32 @!p1 $0x2  }
0x11: {  	s12 =	smov.u32 s10;
	_ =	swait.ge @!p1 [sflag:s14], $0x4000  }
0x12: {  	p0 =	por !p0, !p0;
	s11 =	smov.u32 s9;
	[sflag:s14] =	ssyncset.done @!p1 $0x0  }
0x13: {  	s9 =	smov.u32 s13;
	[sflag:s14] =	ssyncadd.s32 @!p1 $0xFFFFC000;
	s10 =	smov.u32 s15  }
.LBB1_1:
0x14: {  	p1 =	sgt.u32 s8, $0x1F  }
0x15: {  	s13 =	sxor.u32 @!p1 $0xFFFFFFFF, s8;
	s14 =	sshll.u32 @!p1 s10, $0xC  }
0x16: {  	s15 =	sshll.u32 @!p1 s9, $0x7;
	s13 =	sshll.u32 @!p1 s13, $0xE;
	s14 =	sadd.s32 @!p1 s3, s14  }
0x17: {  	s13 =	sand.u32 @!p1 $0x4000, s13;
	s14 =	sadd.s32 @!p1 s15, s14;
	s15 =	simm.s32 @!p1 $0x0  }
0x18: {  	[tilespmem:s13], [sflag:$0x1] =	stream.linear.gather @!p1 [hbm4b:s14+s15], $0x4000, $0x38;
	[tilespmem:$0x10000] =	vst v63  }
0x19: {  	p1 =	seq.s32 s8, $0x0  }
0x1a: {  	p2 =	seq.s32 @!p1 s8, $0x21  }
0x1b: {  	p1 =	por p1, p2  }
.Ltmp2:
0x1c: {  	_ = 	snop;
	(pc) =	sbr.rel @p1 .LBB1_7-.Ltmp2, $1  }
0x1d: {  	_ =	sdelay $0x3  }
0x1e: {  	s13 =	simm.s32 $0x1;
	_ =	swait.ge [sflag:s4], $0x4000;
	s16 =	sshll.u32 s8, $0xE  }
0x1f: {  	s13 =	simm.s32 @!p0 $0x0;
	[sflag:s4] =	ssyncset.done $0x0;
	s31 =	sand.u32 $0x4000, s16  }
0x20: {  	s16 =	simm.s32 $0x0;
	s14 =	sshll.u32 s13, $0xE;
	[sflag:s4] =	ssyncadd.s32 $0xFFFFC000  }
0x21: {  	s13 =	sor.u32 $0x8040, s14;
	s15 =	sor.u32 $0x40, s14;
	s14 =	sor.u32 $0x8000, s31  }
.LBB1_3:
0x22: {  	v0 =	vmov s15;
	_ =	sdelay $0x3  }
0x23: {  	s18 =	simm.s32 $0x0  }
0x24: {  	v6 =	vld.idx.msk [tilespmem:v0+s18+$0x30 ss:$0x1], $0xffff  }
0x25: {  	v7 =	vld.idx.msk [tilespmem:v0+s18+$0xFFFFFFC0 ss:$0x1], $0xffff  }
0x26: {  	v5 =	vld.idx.msk [tilespmem:v0+s18+$0xFFFFFFD0 ss:$0x1], $0xffff  }
0x27: {  	v4 =	vld.idx.msk [tilespmem:v0+s18+$0xFFFFFFE0 ss:$0x1], $0xffff  }
0x28: {  	v3 =	vld.idx.msk [tilespmem:v0+s18+$0xFFFFFFF0 ss:$0x1], $0xffff  }
0x29: {  	v1 =	vld.idx.msk [tilespmem:v0+s18+$0x0 ss:$0x1], $0xffff  }
0x2a: {  	v2 =	vld.idx.msk [tilespmem:v0+s18+$0x10 ss:$0x1], $0xffff;
	[tilespmem:s13+$0x30] =	vst v6  }
0x2b: {  	s17 =	simm.s32 $0x80;
	s19 =	simm.s32 $0x400;
	[tilespmem:s13+$0xFFFFFFC0] =	vst v7;
	v6 =	vld.idx.msk [tilespmem:v0+s18+$0x20 ss:$0x1], $0xffff;
	s18 =	smov.u32 s13  }
.LBB1_4:
0x2c: {  	p1 =	sne.s32 s19, $0xE00;
	v7 =	vld.idx.msk [tilespmem:v0+s17+$0x30 ss:$0x1], $0xffff;
	[tilespmem:s18+$0xFFFFFFD0] =	vst v5  }
0x2d: {  	v8 =	vld.idx.msk [tilespmem:v0+s17+$0xFFFFFFC0 ss:$0x1], $0xffff;
	[tilespmem:s18+$0xFFFFFFE0] =	vst v4  }
0x2e: {  	v5 =	vld.idx.msk [tilespmem:v0+s17+$0xFFFFFFD0 ss:$0x1], $0xffff;
	[tilespmem:s18+$0xFFFFFFF0] =	vst v3  }
.Ltmp3:
0x2f: {  	v4 =	vld.idx.msk [tilespmem:v0+s17+$0xFFFFFFE0 ss:$0x1], $0xffff;
	[tilespmem:s18+$0x0] =	vst v1;
	(pc) =	sbr.rel @p1 .LBB1_4-.Ltmp3, $4  }
0x30: {  	v3 =	vld.idx.msk [tilespmem:v0+s17+$0xFFFFFFF0 ss:$0x1], $0xffff;
	[tilespmem:s18+$0x10] =	vst v2  }
0x31: {  	v1 =	vld.idx.msk [tilespmem:v0+s17+$0x0 ss:$0x1], $0xffff;
	[tilespmem:s18+$0x20] =	vst v6;
	s18 =	sadd.s32 $0x800, s18  }
0x32: {  	v2 =	vld.idx.msk [tilespmem:v0+s17+$0x10 ss:$0x1], $0xffff;
	[tilespmem:s18+$0x30] =	vst v7  }
0x33: {  	[tilespmem:s18+$0xFFFFFFC0] =	vst v8;
	v6 =	vld.idx.msk [tilespmem:v0+s17+$0x20 ss:$0x1], $0xffff;
	s17 =	sshra.s32 s19, $0x2;
	s19 =	sadd.s32 $0x200, s19  }
0x34: {  	_ =	sdelay $0x2  }
0x35: {  	[tilespmem:s18+$0xFFFFFFD0] =	vst v5  }
0x36: {  	v56 =	vld.idx.msk [tilespmem:v0+s17+$0x30 ss:$0x1], $0xffff;
	[tilespmem:s18+$0xFFFFFFE0] =	vst v4  }
0x37: {  	v57 =	vld.idx.msk [tilespmem:v0+s17+$0xFFFFFFC0 ss:$0x1], $0xffff;
	[tilespmem:s18+$0xFFFFFFF0] =	vst v3  }
0x38: {  	v58 =	vld.idx.msk [tilespmem:v0+s17+$0xFFFFFFD0 ss:$0x1], $0xffff;
	[tilespmem:s18+$0x0] =	vst v1  }
0x39: {  	v59 =	vld.idx.msk [tilespmem:v0+s17+$0xFFFFFFE0 ss:$0x1], $0xffff;
	[tilespmem:s18+$0x10] =	vst v2  }
0x3a: {  	v60 =	vld.idx.msk [tilespmem:v0+s17+$0xFFFFFFF0 ss:$0x1], $0xffff;
	s31 =	sadd.s32 $0x800, s18;
	[tilespmem:s18+$0x20] =	vst v6  }
0x3b: {  	v61 =	vld.idx.msk [tilespmem:v0+s17+$0x0 ss:$0x1], $0xffff;
	[tilespmem:s31+$0x30] =	vst v56  }
0x3c: {  	v62 =	vld.idx.msk [tilespmem:v0+s17+$0x10 ss:$0x1], $0xffff;
	s16 =	sadd.s32 $0x1, s16;
	[tilespmem:s31+$0xFFFFFFC0] =	vst v57  }
0x3d: {  	v63 =	vld.idx.msk [tilespmem:v0+s17+$0x20 ss:$0x1], $0xffff;
	p1 =	sne.s32 s16, $0x10;
	[tilespmem:s31+$0xFFFFFFD0] =	vst v58  }
.Ltmp4:
0x3e: {  	[tilespmem:s31+$0xFFFFFFE0] =	vst v59;
	(pc) =	sbr.rel @p1 .LBB1_3-.Ltmp4, $4  }
0x3f: {  	[tilespmem:s31+$0xFFFFFFF0] =	vst v60  }
0x40: {  	[tilespmem:s31+$0x0] =	vst v61  }
0x41: {  	[tilespmem:s31+$0x10] =	vst v62  }
0x42: {  	s13 =	sadd.s32 $0x80, s13;
	s15 =	sadd.s32 $0x400, s15;
	[tilespmem:s31+$0x20] =	vst v63  }
.Ltmp5:
0x43: {  	(pc) =	sbr.rel .LBB1_7-.Ltmp5, $4  }
0x44: {  	s12 =	sshll.u32 s12, $0xC;
	s11 =	sshll.u32 s11, $0x4  }
0x45: {  	s11 =	sand.u32 $0x1F0, s11;
	s12 =	sadd.s32 s2, s12  }
0x46: {  	s11 =	sadd.s32 s11, s12  }
0x47: {  	[hbm4b:s11+s6] =	stream.strided.scatter [tilespmem:s14], [sflag:$0x2], $0x4000, s7, s6, $0x38;
	[tilespmem:$0x10000] =	vst v63  }
.LBB1_8:
0x48: {  	_ =	sfence.sel $0x180000  }
0x49: {  	s2 =	simm.s32 $0x1;
	[bflag:$0x0] =	sbarrier.arrive $0xFFFF  }
0x4a: {  	s31 =	simm.s32 $0x2;
	[sflag:s2] =	ssyncpa.u1 $0x1  }
0x4b: {  	[sflag:s31] =	ssyncpa.u1 $0x1  }
0x4c: {  	p0 =	sne.s32 s1, $0x0;
	_ =	strace $0x90000047  }
0x4d: {  	s0 =	sadd.s32 @!p0 $0x100000, s0;
	[bflag:$0x2] =	sbarrier.arrive $0xFFFF  }
0x4e: {  	[sflag:s0] =	ssyncadd.tile.s32 @!p0 $0x1;
	_ =	shalt  }
.Lfunc_end1:
_tile_overlayer_lowered:
.L_overlay_start_2:
0x4f: {  	(tag) =	ssettag $0x2  }
0x50: {  	s0 =	rddreg [dreg:$0x0];
	s2 =	stileid.u32  }
0x51: {  	s1 =	rddreg [dreg:$0x1];
	p0 =	sne.s32 s2, $0x0  }
0x52: {  	s3 =	rddreg [dreg:$0x2];
	[bflag:$0x3] =	sbarrier.arrive $0xFFFF;
	s2 =	simm.s32 @!p0 $0x1C01  }
0x53: {  	[timem:s3], [sflag:s2] =	dma.local @!p0 [hbm:s0], s1  }
0x54: {  	s0 =	simm.s32 @!p0 $0x1  }
0x55: {  	_ =	swait.ge @!p0 [sflag:s0], s1  }
0x56: {  	s1 =	ssub.s32 @!p0 $0x0, s1;
	[sflag:s0] =	ssyncset.done @!p0 $0x0  }
0x57: {  	[sflag:s0] =	ssyncadd.s32 @!p0 s1  }
0x58: {  	[bflag:$0x3] =	sbarrier.arrive $0xFFFF  }
0x59: {  	_ =	shalt  }

</sc_bundles>
